<compile_context>
chip_gen: v7x
topology: tpu7x:2x2x1
jax: 0.10.2.dev20260603
libtpu: 0.0.44.dev20260713+nightly
codegen_flags: <defaults>
</compile_context>

<pallas_src>
import jax
import jax.numpy as jnp
from jax.experimental import pallas as pl

_CHUNK = 2000
_ZBLK = 6000


def _body(zc_ref, table_ref, out1_ref, out2_ref):
    i = pl.program_id(0)
    out2_ref[...] = jnp.zeros_like(out2_ref)

    @pl.when(i < 5)
    def _():
        idx = zc_ref[...]
        tv = table_ref[...]
        v = tv.shape[0]
        onehot = (idx == jax.lax.broadcasted_iota(
            jnp.int32, (idx.shape[0], v), 1))
        out1_ref[...] = jax.lax.dot_general(
            onehot.astype(jnp.float32), tv,
            dimension_numbers=(((1,), (0,)), ((), ())),
            preferred_element_type=jnp.float32)


def kernel(z, graph, edges_dist, orientation, table):
    del orientation
    zi = z.astype(jnp.int32)
    B = zi.shape[0]
    V, D = table.shape
    E = graph.shape[0]
    zc = zi.reshape(B, 1)
    n_blk = (E * 3) // _ZBLK
    node_scalars, flat_zeros = pl.pallas_call(
        _body,
        grid=(n_blk,),
        in_specs=[
            pl.BlockSpec((_CHUNK, 1), lambda i: (jnp.minimum(i, 4), 0)),
            pl.BlockSpec((V, D), lambda i: (0, 0)),
        ],
        out_specs=[
            pl.BlockSpec((_CHUNK, D), lambda i: (jnp.minimum(i, 4), 0)),
            pl.BlockSpec((_ZBLK, D), lambda i: (i, 0)),
        ],
        out_shape=[
            jax.ShapeDtypeStruct((B, D), jnp.float32),
            jax.ShapeDtypeStruct((E * 3, D), edges_dist.dtype),
        ],
    )(zc, table)
    node_vectors = flat_zeros.reshape(E, 3, D)
    return (node_scalars, node_vectors)

# --- scband reference (transcript-rebuilt; emitter-appended) ---
"""Pipeline reference for scband-pai-nnmodel-38663295599366 (READ-ONLY COPY).

The authoritative reference and input builder live on the scoring server;
editing this copy changes nothing except your own understanding.
"""

import jax, jax.numpy as jnp
import numpy as np

N_NODES = 10000
N_EDGES = 320000
HIDDEN = 128
NUM_EMBED = 119

def setup_inputs(seed: int = 0) -> dict:
    key = jax.random.key(seed)
    k1, k2, k3, k4, k5 = jax.random.split(key, 5)
    z = jax.random.randint(k1, (N_NODES,), 0, NUM_EMBED)
    graph = jax.random.randint(k2, (N_EDGES, 2), 0, N_NODES)
    edges_dist = jax.random.uniform(k3, (N_EDGES,), dtype=jnp.float32)
    orientation = jax.random.normal(k4, (N_EDGES, 3), dtype=jnp.float32)
    # learned parameter: embedding table (num_embedding=119, hidden_state_size=128)
    table = jax.random.normal(k5, (NUM_EMBED, HIDDEN), dtype=jnp.float32) * 0.02
    return {"z": z, "graph": graph, "edges_dist": edges_dist, "orientation": orientation, "table": table}

def reference(z, graph, edges_dist, orientation, table):
    # node_scalars = self.embedding_layer(input['z'])
    node_scalars = jnp.take(table, z, axis=0)
    # node_vectors = torch.zeros((graph.shape[0], 3, hidden_state_size))
    node_vectors = jnp.zeros((graph.shape[0], 3, table.shape[1]), dtype=edges_dist.dtype)
    # original forward returns an empty dict; we return the materialized intermediates
    return (node_scalars, node_vectors)

if __name__ == "__main__":
    import jax
    _d = setup_inputs()
    print(jax.jit(kernel)(*tuple(_d.values())))

</pallas_src>

<mosaic_0001>
module attributes {stable_mosaic.version = 14 : i64} {
  func.func @_body(%arg0: i32, %arg1: memref<2000x1xi32, #tpu.memory_space<vmem>>, %arg2: memref<119x128xf32, #tpu.memory_space<vmem>>, %arg3: memref<2000x128xf32, #tpu.memory_space<vmem>>, %arg4: memref<6000x128xf32, #tpu.memory_space<vmem>>) attributes {dimension_semantics = [#tpu.dimension_semantics<arbitrary>], iteration_bounds = array<i64: 160>, scalar_prefetch = 0 : i64, scratch_operands = 0 : i64, tpu.core_type = #tpu.core_type<tc>, window_params = [{transform_indices = @transform_0, window_bounds = array<i64: 2000, 1>}, {pipeline_mode = #tpu.pipeline_mode<synchronous>, transform_indices = @transform_1, window_bounds = array<i64: 119, 128>}, {transform_indices = @transform_2, window_bounds = array<i64: 2000, 128>}, {transform_indices = @transform_3, window_bounds = array<i64: 6000, 128>}]} {
    %broadcast_in_dim3A = arith.constant 0.000000e+00 : f32
    %broadcast_in_dim3A_0 = vector.broadcast %broadcast_in_dim3A : f32 to vector<6000x128xf32>
    %swap3A = arith.constant 0 : index
    %swap3A_1 = arith.constant 0 : index
    %swap3A_2 = vector.load %arg4[%swap3A, %swap3A_1] : memref<6000x128xf32, #tpu.memory_space<vmem>>, vector<6000x128xf32>
    tpu.vector_store %arg4[%swap3A, %swap3A_1], %broadcast_in_dim3A_0 {strides = array<i32>} : memref<6000x128xf32, #tpu.memory_space<vmem>>, vector<6000x128xf32>,
    %lt3A = arith.constant 5 : i32
    %lt3A_3 = arith.cmpi slt, %arg0, %lt3A : i32
    %convert_element_type3A = arith.extui %lt3A_3 : i1 to i32
    %cond3A = arith.constant 0 : i32
    %cond3A_4 = arith.cmpi ne, %convert_element_type3A, %cond3A : i32
    scf.if %cond3A_4 {
      %get3A = arith.constant 0 : index
      %get3A_5 = arith.constant 0 : index
      %get3A_6 = vector.load %arg1[%get3A, %get3A_5] : memref<2000x1xi32, #tpu.memory_space<vmem>>, vector<2000x1xi32>
      %get3A_7 = arith.constant 0 : index
      %get3A_8 = arith.constant 0 : index
      %get3A_9 = vector.load %arg2[%get3A_7, %get3A_8] : memref<119x128xf32, #tpu.memory_space<vmem>>, vector<119x128xf32>
      %iota3A = tpu.iota {dimensions = array<i32: 1>} : vector<2000x119xi32>
      %eq3A = vector.broadcast %get3A_6 : vector<2000x1xi32> to vector<2000x119xi32>
      %eq3A_10 = arith.cmpi eq, %eq3A, %iota3A : vector<2000x119xi32>
      %convert_element_type3A_11 = arith.extui %eq3A_10 : vector<2000x119xi1> to vector<2000x119xi32>
      %convert_element_type3A_12 = arith.sitofp %convert_element_type3A_11 : vector<2000x119xi32> to vector<2000x119xf32>
      %dot_general3A = arith.constant dense<0.000000e+00> : vector<2000x128xf32>
      %dot_general3A_13 = tpu.matmul %convert_element_type3A_12, %get3A_9, %dot_general3A {dimension_numbers = #tpu.dot_dimension_numbers<[1], [0], [0], [1], [0, 0, 1, 1], [], []>, transpose_lhs_hint = false} : vector<2000x119xf32>, vector<119x128xf32>, vector<2000x128xf32> -> vector<2000x128xf32>
      %swap3A_14 = arith.constant 0 : index
      %swap3A_15 = arith.constant 0 : index
      %swap3A_16 = vector.load %arg3[%swap3A_14, %swap3A_15] : memref<2000x128xf32, #tpu.memory_space<vmem>>, vector<2000x128xf32>
      tpu.vector_store %arg3[%swap3A_14, %swap3A_15], %dot_general3A_13 {strides = array<i32>} : memref<2000x128xf32, #tpu.memory_space<vmem>>, vector<2000x128xf32>,
    } else {
    }
    return
  }
  func.func @transform_0(%arg0: i32) -> (i32, i32) {
    %min3A = arith.constant 4 : i32
    %min3A_0 = arith.minsi %arg0, %min3A : i32
    %c0_i32 = arith.constant 0 : i32
    %c0_i32_1 = arith.constant 0 : i32
    return %min3A_0, %c0_i32 : i32, i32
  }
  func.func @transform_1(%arg0: i32) -> (i32, i32) {
    %c0_i32 = arith.constant 0 : i32
    %c0_i32_0 = arith.constant 0 : i32
    %c0_i32_1 = arith.constant 0 : i32
    return %c0_i32, %c0_i32_0 : i32, i32
  }
  func.func @transform_2(%arg0: i32) -> (i32, i32) {
    %min3A = arith.constant 4 : i32
    %min3A_0 = arith.minsi %arg0, %min3A : i32
    %c0_i32 = arith.constant 0 : i32
    %c0_i32_1 = arith.constant 0 : i32
    return %min3A_0, %c0_i32 : i32, i32
  }
  func.func @transform_3(%arg0: i32) -> (i32, i32) {
    %c0_i32 = arith.constant 0 : i32
    %c0_i32_0 = arith.constant 0 : i32
    return %arg0, %c0_i32 : i32, i32
  }
}

</mosaic_0001>

<sc_bundles>
// kernel: sparse-core-data-format-call.cloned.1.call-start
scs
called_computation_lowered:
.L_overlay_start_0:
0x0: {  	s2 =	sld [smem:$0x3FD9]  }
0x1: {  	s3 =	sld [smem:$0x3FFE];
	_ =	sdelay $0x1  }
0x2: {  	s1 =	srdreg.scid  }
0x3: {  	s0 =	sand.u32 $0x1, s1  }
0x4: {  	s15 =	sshll.u32 s0, $0xA;
	s2 =	sadd.s32 s3, s2  }
0x5: {  	s2 =	sadd.s32 s2, s15  }
0x6: {  	[smem:$0x3FC6] =	sst s2  }
0x7: {  	_ = 	snop  }
0x8: {  	s2 =	sld [smem:$0x3FD0];
	_ =	sdelay $0x2  }
0x9: {  	s16 =	simm.s32 $0xA;
	s4 =	simm.s32 $0x10  }
0xa: {  	[smem:s4], [sflag:s16] =	dma.local [hbm:s2], $0x1  }
0xb: {  	_ =	swait.eq [sflag:s16], $0x1  }
0xc: {  	[sflag:s16] =	ssyncset.done $0x0  }
0xd: {  	[sflag:s16] =	ssyncadd.s32 $0xFFFFFFFF  }
0xe: {  	s17 =	sld [smem:$0x11];
	(tm) =	ssettm $0x1  }
0xf: {  	s18 =	sld [smem:$0x3FFB];
	_ =	sdelay $0x3  }
0x10: {  	_ =	strace s18  }
0x11: {  	s3 =	sld [smem:$0x3FFC];
	_ =	sdelay $0x3  }
0x12: {  	_ =	strace s3  }
0x13: {  	s3 =	sld [smem:$0x3FFD];
	_ =	sdelay $0x3  }
0x14: {  	_ =	strace s3  }
0x15: {  	_ =	strace $0x8FFFFFFF  }
0x16: {  	s19 =	sld [smem:$0x3FDB];
	_ =	sdelay $0x1  }
0x17: {  	s20 =	simm.s32 $_scs_section_size  }
0x18: {  	s5 =	simm.s32 $_size__tile_overlayer_lowered;
	s6 =	simm.s32 $_tile_overlayer_lowered  }
0x19: {  	s23 =	simm.s32 $0x1BFF;
	s22 =	sshll.u32 s6, $0x1;
	s3 =	sadd.s32 s20, s19  }
0x1a: {  	s7 =	simm.s32 $0x0;
	s21 =	sshll.u32 s5, $0x1;
	s5 =	sadd.s32 s22, s3  }
0x1b: {  	[timem:s7], [sflag:s23] =	dma.local [hbm:s5], s21  }
0x1c: {  	_ =	swait.ge [sflag:s23], s21  }
0x1d: {  	s4 =	ssub.s32 $0x0, s21;
	[sflag:s23] =	ssyncset.done $0x0  }
0x1e: {  	[sflag:s23] =	ssyncadd.s32 s4;
	_ =	sdelay $0x1  }
0x1f: {  	s24 =	simm.s32 $0x1B8B  }
0x20: {  	_ =	swait.ge [sflag:s24], $0x1  }
0x21: {  	[sflag:s24] =	ssyncset.done $0x0  }
0x22: {  	s26 =	simm.s32 $0x1B8E;
	s25 =	sld [smem:$0x3FFE];
	[sflag:s24] =	ssyncadd.s32 $0xFFFFFFFF  }
0x23: {  	s27 =	simm.s32 $execute0_lowered;
	[smem:$0x3FD2] =	sst s26  }
0x24: {  	s5 =	sshll.u32 s27, $0x1;
	_ =	strace $0x80000046;
	[dreg:$0x1] =	wrdreg $0xFFFFFFFF  }
0x25: {  	s28 =	simm.s32 $_size_execute0_lowered;
	s3 =	sadd.s32 s3, s5;
	[dreg:$0x0] =	wrdreg $0x0  }
0x26: {  	s5 =	sshll.u32 s28, $0x1;
	[dreg:$0x2] =	wrdreg s3  }
0x27: {  	[dreg:$0x3] =	wrdreg s5  }
0x28: {  	[dreg:$0x4] =	wrdreg $0xC0  }
0x29: {  	_ =	task [dreg:s7], $0x5FFFF  }
0x2a: {  	[dreg:$0x1] =	wrdreg $0xFFFFFFFF  }
0x2b: {  	[dreg:$0x0] =	wrdreg $0x60  }
0x2c: {  	[dreg:$0x2] =	wrdreg s25  }
0x2d: {  	[dreg:$0x3] =	wrdreg s17  }
0x2e: {  	[dreg:$0x4] =	wrdreg $0x9  }
0x2f: {  	_ =	task.clear_ibuf [dreg:s7], $0x5FFFF;
	_ =	strace $0x90000046  }
0x30: {  	s29 =	simm.s32 $0x9;
	_ =	strace $0x80000048  }
0x31: {  	_ =	swait.ge [sflag:s29], $0x1  }
0x32: {  	[sflag:s29] =	ssyncadd.s32 $0xFFFFFFFF  }
0x33: {  	_ =	strace $0x90000048  }
0x34: {  	_ =	sfence  }
0x35: {  	s30 =	sld [smem:$0x0];
	_ =	sdelay $0x2  }
0x36: {  	s31 =	sshll.u32 s1, $0xD;
	s1 =	sshrl.u32 s1, $0x2  }
0x37: {  	s3 =	sand.u32 $0x4000, s31;
	s1 =	sadd.s32 s1, s30  }
0x38: {  	s0 =	sor.u32 s3, s0;
	s1 =	sshll.u32 s1, $0x11  }
0x39: {  	s0 =	sor.u32 s1, s0  }
0x3a: {  	s0 =	sadd.s32 $0x8F2B, s0  }
0x3b: {  	[sflag:s0] =	ssyncadd.remote.s32 $0x1  }
0x3c: {  	_ =	sfence.sel $0xFFFF  }
0x3d: {  	[dreg:$0x0] =	wrdreg $0xFFFFFFFF;
	(pc) =	sbr.abs _section_cstart, $3  }
0x3e: {  	[dreg:$0x1] =	wrdreg $0xFFFFFFFF  }
0x3f: {  	_ =	task.clear_ibuf [dreg:s7], $0x2FFFF;
	_ =	strace $0x9FFFFFFF  }
0x40: {  	(tm) =	ssettm $0x7FFFFFFF  }
0x41: {  	_ =	shalt  }
tec
execute0_lowered:
.L_overlay_start_1:
0x0: {  	(tag) =	ssettag $0x1  }
0x1: {  	s0 =	srdreg.scid  }
0x2: {  	s1 =	sshll.u32 s0, $0x4  }
0x3: {  	s0 =	stileid.u32;
	s1 =	sand.u32 $0x10, s1  }
0x4: {  	s1 =	sor.u32 s0, s1  }
0x5: {  	s6 =	rddreg [dreg:$0x0];
	s4 =	simm.s32 $0x1;
	s2 =	sshll.u32 s1, $0x7  }
0x6: {  	s7 =	simm.s32 $0x2;
	s8 =	simm.s32 $0x0;
	s1 =	ssub.s32 $0x4E200, s2  }
0x7: {  	s9 =	simm.s32 $0x0;
	s13 =	simm.s32 $0x0;
	s3 =	sand.u32 $0xF80, s1  }
0x8: {  	s14 =	simm.s32 $0x0;
	s5 =	sshrl.u32 s1, $0xC;
	p0 =	sne.s32 s3, $0x0  }
.Ltmp0:
0x9: {  	s1 =	rddreg [dreg:$0x2];
	s4 =	simm.s32 @!p0 $0x0;
	(pc) =	sbr.rel .LBB1_1-.Ltmp0, $4  }
0xa: {  	s10 =	simm.s32 $0x0;
	s3 =	rddreg [dreg:$0x1];
	s5 =	sadd.s32 s4, s5  }
0xb: {  	_ =	strace $0x80000047;
	s4 =	simm.s32 $0x1;
	s5 =	smul.u32 $0x3, s5  }
0xc: {  	s12 =	simm.s32 $0x0;
	s6 =	sadd.s32 $0x800, s6;
	[sflag:s4] =	ssyncpa.u1 $0x0  }
0xd: {  	s11 =	smov.u32 s2;
	[sflag:s7] =	ssyncpa.u1 $0x0;
	s7 =	sadd.s32 $0x1, s5  }
.LBB1_4:
0xe: {  	_ =	sdelay $0x3  }
0xf: {  	[tilespmem:v0+s17+$0xFFFFFFD0 ss:$0x1] =	vst.idx.msk $0xffff, v6  }
0x10: {  	v56 =	vld.idx.msk [tilespmem:v1+s16+$0x0 ss:$0x1], $0xffff;
	[tilespmem:v0+s17+$0xFFFFFFE0 ss:$0x1] =	vst.idx.msk $0xffff, v4  }
0x11: {  	v57 =	vld.idx.msk [tilespmem:v1+s16+$0xFFFFFF90 ss:$0x1], $0xffff;
	[tilespmem:v0+s17+$0xFFFFFFF0 ss:$0x1] =	vst.idx.msk $0xffff, v2  }
0x12: {  	v58 =	vld.idx.msk [tilespmem:v1+s16+$0xFFFFFFA0 ss:$0x1], $0xffff;
	[tilespmem:v0+s17+$0x0 ss:$0x1] =	vst.idx.msk $0xffff, v3  }
0x13: {  	v59 =	vld.idx.msk [tilespmem:v1+s16+$0xFFFFFFB0 ss:$0x1], $0xffff;
	[tilespmem:v0+s17+$0x10 ss:$0x1] =	vst.idx.msk $0xffff, v5  }
0x14: {  	v60 =	vld.idx.msk [tilespmem:v1+s16+$0xFFFFFFC0 ss:$0x1], $0xffff;
	[tilespmem:v0+s17+$0x20 ss:$0x1] =	vst.idx.msk $0xffff, v7;
	s14 =	sand.u32 $0x1FFFFFF, s14  }
0x15: {  	v61 =	vld.idx.msk [tilespmem:v1+s16+$0xFFFFFFD0 ss:$0x1], $0xffff;
	s31 =	smulhi.u32 $0x1A36E2F, s14;
	[tilespmem:v0+s16+$0x30 ss:$0x1] =	vst.idx.msk $0xffff, v56  }
0x16: {  	v62 =	vld.idx.msk [tilespmem:v1+s16+$0xFFFFFFE0 ss:$0x1], $0xffff;
	[tilespmem:v0+s16+$0xFFFFFFC0 ss:$0x1] =	vst.idx.msk $0xffff, v57  }
0x17: {  	v63 =	vld.idx.msk [tilespmem:v1+s16+$0xFFFFFFF0 ss:$0x1], $0xffff;
	s17 =	sshrl.u32 s31, $0xB;
	[tilespmem:v0+s16+$0xFFFFFFD0 ss:$0x1] =	vst.idx.msk $0xffff, v58  }
0x18: {  	s17 =	smul.u32 $0x4E200, s17;
	[tilespmem:v0+s16+$0xFFFFFFE0 ss:$0x1] =	vst.idx.msk $0xffff, v59  }
0x19: {  	s13 =	smul.u32 $0x4E2000, s13;
	[tilespmem:v0+s16+$0xFFFFFFF0 ss:$0x1] =	vst.idx.msk $0xffff, v60  }
0x1a: {  	[tilespmem:v0+s16+$0x0 ss:$0x1] =	vst.idx.msk $0xffff, v61;
	s14 =	ssub.s32 s14, s17  }
0x1b: {  	s13 =	sadd.s32 s3, s13;
	[tilespmem:v0+s16+$0x10 ss:$0x1] =	vst.idx.msk $0xffff, v62;
	s14 =	sshll.u32 s14, $0x4  }
0x1c: {  	[tilespmem:v0+s16+$0x20 ss:$0x1] =	vst.idx.msk $0xffff, v63;
	s13 =	sadd.s32 s14, s13  }
0x1d: {  	[hbm4b:s13+s8] =	stream.linear.scatter [tilespmem:s15], [sflag:$0x2], $0x4000, $0x38;
	[tilespmem:$0x10000] =	vst v63  }
.LBB1_5:
0x1e: {  	s15 =	sadd.s32 $0x1, s10  }
0x1f: {  	s13 =	sadd.s32 $0x1000, s11;
	s17 =	smov.u32 s11;
	p1 =	sgt.s32 s15, $0x2  }
0x20: {  	s17 =	smov.u32 @p1 s13  }
0x21: {  	s15 =	simm.s32 @p1 $0x0;
	p1 =	sgt.s32 s17, $0x4E1FF  }
0x22: {  	s17 =	smov.u32 @p1 s2;
	p1 =	sne.s32 s12, s7  }
.Ltmp1:
0x23: {  	p0 =	slt.u32 s12, $0x2;
	(pc) =	sbr.rel @!p1 .LBB1_6-.Ltmp1, $4  }
0x24: {  	s16 =	simm.s32 @!p0 $0x2  }
0x25: {  	s14 =	smov.u32 s11;
	s9 =	sadd.s32 $0x4000, s9;
	_ =	swait.ge @!p0 [sflag:s16], $0x4000  }
0x26: {  	s13 =	smov.u32 s10;
	[sflag:s16] =	ssyncset.done @!p0 $0x0;
	s10 =	smov.u32 s15  }
0x27: {  	s12 =	sadd.s32 $0x1, s12;
	[sflag:s16] =	ssyncadd.s32 @!p0 $0xFFFFC000;
	s11 =	smov.u32 s17  }
.LBB1_1:
0x28: {  	p0 =	sge.u32 s12, s5  }
0x29: {  	s31 =	sadd.s32 $0xFFFFFFFF, s12;
	s15 =	sxor.u32 @!p0 $0xFFFFFFFF, s12  }
0x2a: {  	s16 =	sshll.u32 @!p0 s11, $0x6;
	s17 =	sshll.u32 @!p0 s10, $0x4;
	s18 =	simm.s32 @!p0 $0x200  }
0x2b: {  	s15 =	sshll.u32 @!p0 s15, $0xE;
	s17 =	sand.u32 @!p0 $0x30, s17;
	s16 =	sadd.s32 @!p0 s6, s16  }
0x2c: {  	s15 =	sand.u32 @!p0 $0x4000, s15;
	s16 =	sadd.s32 @!p0 s17, s16;
	s17 =	simm.s32 @!p0 $0x80  }
0x2d: {  	[tilespmem:s15], [sflag:$0x1] =	stream.strided.gather @!p0 [hbm4b:s16+s17], $0x4000, s18, s17, $0x38;
	[tilespmem:$0x10000] =	vst v63  }
0x2e: {  	p0 =	sge.u32 s31, s5  }
.Ltmp2:
0x2f: {  	_ = 	snop;
	(pc) =	sbr.rel @p0 .LBB1_5-.Ltmp2, $1  }
0x30: {  	_ =	sdelay $0x3  }
0x31: {  	s15 =	sand.u32 $0x4000, s9  }
0x32: {  	s16 =	sor.u32 $0x70, s15  }
0x33: {  	v1 =	vmov s16;
	_ =	sdelay $0x1  }
0x34: {  	_ =	swait.ge [sflag:s4], $0x4000  }
0x35: {  	[sflag:s4] =	ssyncset.done $0x0  }
0x36: {  	s17 =	simm.s32 $0x0;
	[sflag:s4] =	ssyncadd.s32 $0xFFFFC000  }
0x37: {  	s15 =	sor.u32 $0x8040, s15;
	v7 =	vld.idx.msk [tilespmem:v1+s17+$0x0 ss:$0x1], $0xffff  }
0x38: {  	v0 =	vmov s15;
	v8 =	vld.idx.msk [tilespmem:v1+s17+$0xFFFFFF90 ss:$0x1], $0xffff  }
0x39: {  	v6 =	vld.idx.msk [tilespmem:v1+s17+$0xFFFFFFA0 ss:$0x1], $0xffff  }
0x3a: {  	v4 =	vld.idx.msk [tilespmem:v1+s17+$0xFFFFFFB0 ss:$0x1], $0xffff  }
0x3b: {  	v2 =	vld.idx.msk [tilespmem:v1+s17+$0xFFFFFFC0 ss:$0x1], $0xffff  }
0x3c: {  	s31 =	sshll.u32 s12, $0xE;
	v3 =	vld.idx.msk [tilespmem:v1+s17+$0xFFFFFFD0 ss:$0x1], $0xffff  }
0x3d: {  	s15 =	sand.u32 $0x4000, s31;
	v5 =	vld.idx.msk [tilespmem:v1+s17+$0xFFFFFFE0 ss:$0x1], $0xffff;
	[tilespmem:v0+s17+$0x30 ss:$0x1] =	vst.idx.msk $0xffff, v7  }
0x3e: {  	s18 =	simm.s32 $0x400;
	s16 =	simm.s32 $0x80;
	s15 =	sor.u32 $0x8000, s15;
	[tilespmem:v0+s17+$0xFFFFFFC0 ss:$0x1] =	vst.idx.msk $0xffff, v8;
	v7 =	vld.idx.msk [tilespmem:v1+s17+$0xFFFFFFF0 ss:$0x1], $0xffff  }
.LBB1_3:
0x3f: {  	p0 =	sne.s32 s18, $0xFE00;
	v8 =	vld.idx.msk [tilespmem:v1+s16+$0x0 ss:$0x1], $0xffff;
	[tilespmem:v0+s17+$0xFFFFFFD0 ss:$0x1] =	vst.idx.msk $0xffff, v6  }
0x40: {  	v9 =	vld.idx.msk [tilespmem:v1+s16+$0xFFFFFF90 ss:$0x1], $0xffff;
	[tilespmem:v0+s17+$0xFFFFFFE0 ss:$0x1] =	vst.idx.msk $0xffff, v4  }
0x41: {  	v6 =	vld.idx.msk [tilespmem:v1+s16+$0xFFFFFFA0 ss:$0x1], $0xffff;
	[tilespmem:v0+s17+$0xFFFFFFF0 ss:$0x1] =	vst.idx.msk $0xffff, v2  }
.Ltmp3:
0x42: {  	v4 =	vld.idx.msk [tilespmem:v1+s16+$0xFFFFFFB0 ss:$0x1], $0xffff;
	[tilespmem:v0+s17+$0x0 ss:$0x1] =	vst.idx.msk $0xffff, v3;
	(pc) =	sbr.rel @p0 .LBB1_3-.Ltmp3, $4  }
0x43: {  	v2 =	vld.idx.msk [tilespmem:v1+s16+$0xFFFFFFC0 ss:$0x1], $0xffff;
	[tilespmem:v0+s17+$0x10 ss:$0x1] =	vst.idx.msk $0xffff, v5  }
0x44: {  	v3 =	vld.idx.msk [tilespmem:v1+s16+$0xFFFFFFD0 ss:$0x1], $0xffff;
	[tilespmem:v0+s17+$0x20 ss:$0x1] =	vst.idx.msk $0xffff, v7;
	s17 =	smov.u32 s16  }
0x45: {  	v5 =	vld.idx.msk [tilespmem:v1+s17+$0xFFFFFFE0 ss:$0x1], $0xffff;
	[tilespmem:v0+s17+$0x30 ss:$0x1] =	vst.idx.msk $0xffff, v8  }
0x46: {  	s16 =	sshra.s32 s18, $0x2;
	s18 =	sadd.s32 $0x200, s18;
	[tilespmem:v0+s17+$0xFFFFFFC0 ss:$0x1] =	vst.idx.msk $0xffff, v9;
	v7 =	vld.idx.msk [tilespmem:v1+s17+$0xFFFFFFF0 ss:$0x1], $0xffff  }
.Ltmp4:
0x47: {  	_ = 	snop;
	(pc) =	sbr.rel .LBB1_4-.Ltmp4, $1  }
0x48: {  	_ =	sdelay $0x3  }
.LBB1_6:
0x49: {  	_ =	sfence.sel $0x180000  }
0x4a: {  	s2 =	simm.s32 $0x1;
	[bflag:$0x0] =	sbarrier.arrive $0xFFFF  }
0x4b: {  	s31 =	simm.s32 $0x2;
	[sflag:s2] =	ssyncpa.u1 $0x1  }
0x4c: {  	[sflag:s31] =	ssyncpa.u1 $0x1  }
0x4d: {  	p0 =	sne.s32 s0, $0x0;
	_ =	strace $0x90000047  }
0x4e: {  	s0 =	sadd.s32 @!p0 $0x100000, s1;
	[bflag:$0x2] =	sbarrier.arrive $0xFFFF  }
0x4f: {  	[sflag:s0] =	ssyncadd.tile.s32 @!p0 $0x1;
	_ =	shalt  }
.Lfunc_end1:
_tile_overlayer_lowered:
.L_overlay_start_2:
0x50: {  	(tag) =	ssettag $0x2  }
0x51: {  	s0 =	rddreg [dreg:$0x0];
	s2 =	stileid.u32  }
0x52: {  	s1 =	rddreg [dreg:$0x1];
	p0 =	sne.s32 s2, $0x0  }
0x53: {  	s3 =	rddreg [dreg:$0x2];
	[bflag:$0x3] =	sbarrier.arrive $0xFFFF;
	s2 =	simm.s32 @!p0 $0x1C01  }
0x54: {  	[timem:s3], [sflag:s2] =	dma.local @!p0 [hbm:s0], s1  }
0x55: {  	s0 =	simm.s32 @!p0 $0x1  }
0x56: {  	_ =	swait.ge @!p0 [sflag:s0], s1  }
0x57: {  	s1 =	ssub.s32 @!p0 $0x0, s1;
	[sflag:s0] =	ssyncset.done @!p0 $0x0  }
0x58: {  	[sflag:s0] =	ssyncadd.s32 @!p0 s1  }
0x59: {  	[bflag:$0x3] =	sbarrier.arrive $0xFFFF  }
0x5a: {  	_ =	shalt  }

</sc_bundles>
